<compile_context>
chip_gen: v7x
topology: tpu7x:2x2x1
jax: 0.10.2.dev20260603
libtpu: 0.0.44.dev20260713+nightly
codegen_flags: <defaults>
</compile_context>

<pallas_src>
import functools

import jax
import jax.numpy as jnp
from jax import lax
from jax.experimental import pallas as pl
from jax.experimental.pallas import tpu as pltpu
from jax.experimental.pallas import tpu_sc as plsc

N_BINS = 10000
ROW_W = 128
N_ROWS = 80
PAD_BINS = N_ROWS * ROW_W
N_TILES = 32
N_REL = 4
E_PER_REL = 80000
LANE_BLKS = E_PER_REL // 128
BASE_BLKS = LANE_BLKS // N_TILES
EXTRA_TILES = LANE_BLKS - BASE_BLKS * N_TILES
BASE_COLS = BASE_BLKS * 128
MAX_COLS = BASE_COLS + 128


def _make_sc_hist():
    mesh = plsc.VectorSubcoreMesh(core_axis_name="c", subcore_axis_name="s")

    @functools.partial(
        pl.kernel,
        out_type=jax.ShapeDtypeStruct((N_TILES, N_ROWS, ROW_W), jnp.float32),
        mesh=mesh,
        compiler_params=pltpu.CompilerParams(needs_layout_passes=False),
        scratch_types=[
            pltpu.VMEM((2 * N_REL, MAX_COLS), jnp.int32),
            pltpu.VMEM((N_ROWS, ROW_W), jnp.float32),
            pltpu.SemaphoreType.DMA,
        ],
    )
    def sc_hist(idxa_hbm, idxb_hbm, part_hbm, idx_v, hist_v, sem):
        wid = lax.axis_index("c") * 16 + lax.axis_index("s")

        has_extra = wid < EXTRA_TILES
        base_off = pl.multiple_of(wid * BASE_COLS, 128)
        extra_off = pl.multiple_of((BASE_BLKS * N_TILES + wid) * 128, 128)

        cps = [
            pltpu.async_copy(idxa_hbm.at[:, pl.ds(base_off, BASE_COLS)],
                             idx_v.at[pl.ds(0, N_REL), pl.ds(0, BASE_COLS)],
                             sem),
            pltpu.async_copy(idxb_hbm.at[:, pl.ds(base_off, BASE_COLS)],
                             idx_v.at[pl.ds(N_REL, N_REL),
                                      pl.ds(0, BASE_COLS)], sem),
        ]

        @pl.when(has_extra)
        def _():
            pltpu.async_copy(idxa_hbm.at[:, pl.ds(extra_off, 128)],
                             idx_v.at[pl.ds(0, N_REL),
                                      pl.ds(BASE_COLS, 128)], sem).wait()
            pltpu.async_copy(idxb_hbm.at[:, pl.ds(extra_off, 128)],
                             idx_v.at[pl.ds(N_REL, N_REL),
                                      pl.ds(BASE_COLS, 128)], sem).wait()

        zeros = jnp.zeros((16,), jnp.float32)

        def zero_body(i, _):
            hist_v[i >> 3, pl.ds((i & 7) * 16, 16)] = zeros
            return 0

        lax.fori_loop(0, N_ROWS * 8, zero_body, 0, unroll=4)

        for cp in cps:
            cp.wait()

        ones = jnp.full((16,), 1.0, jnp.float32)
        ncols = jnp.where(has_extra, MAX_COLS, BASE_COLS)

        @plsc.parallel_loop(0, ncols, step=16, unroll=2)
        def acc_body(i):
            for r in range(2 * N_REL):
                v = idx_v[r, pl.ds(i, 16)]
                plsc.addupdate_scatter(hist_v, [v >> 7, v & 127], ones)

        pltpu.sync_copy(hist_v, part_hbm.at[wid])

    return sc_hist


def _tc_combine_body(part_ref, out_ref):
    out_ref[...] = 1.0 / (jnp.sum(part_ref[...], axis=0) + 4.0)


_SC_HIST = _make_sc_hist()

_TC_COMBINE = pl.pallas_call(
    _tc_combine_body,
    out_shape=jax.ShapeDtypeStruct((N_ROWS, ROW_W), jnp.float32),
)


def kernel(X, ref_a, ref_b):
    del X
    parts = _SC_HIST(ref_a, ref_b)
    hist = _TC_COMBINE(parts)
    return hist.reshape(PAD_BINS)[:N_BINS]

# --- scband reference (transcript-rebuilt; emitter-appended) ---
"""Pipeline reference for scband-rgcnpreprocess-layer-80221399155530 (READ-ONLY COPY).

The authoritative reference and input builder live on the scoring server;
editing this copy changes nothing except your own understanding.
"""

import jax, jax.numpy as jnp
import numpy as np

N_NODES = 10000
D_FEAT = 128
N_REL = 4
E_PER_REL = 80000


def setup_inputs(seed: int = 0) -> dict:
    key = jax.random.key(seed)
    k1, k2, k3 = jax.random.split(key, 3)
    X = jax.random.normal(k1, (N_NODES, D_FEAT), dtype=jnp.float32)
    ref_a = jax.random.randint(k2, (N_REL, E_PER_REL), 0, N_NODES, dtype=jnp.int32)
    ref_b = jax.random.randint(k3, (N_REL, E_PER_REL), 0, N_NODES, dtype=jnp.int32)
    return {"X": X, "ref_a": ref_a, "ref_b": ref_b}


def _reciprocal_no_nan(x):
    # tf.math.reciprocal_no_nan: 1/x where x != 0, else 0
    safe = jnp.where(x == 0, 1.0, x)
    return jnp.where(x == 0, 0.0, 1.0 / safe)


def _wl1_neighbor_norm(X, ra, rb, directed=False, selfloops=True, normalizer=None):
    # Weisfeiler-Lehman-1 neighbor degree norm: per-node neighbor count via scatter-add
    n = X.shape[0]
    ones = jnp.ones(ra.shape, X.dtype)
    deg = jax.ops.segment_sum(ones, rb, num_segments=n)
    if not directed:
        deg = deg + jax.ops.segment_sum(ones, ra, num_segments=n)
    if selfloops:
        deg = deg + 1.0
    if normalizer is not None:
        deg = normalizer(deg)
    return deg


def reference(X, ref_a, ref_b):
    # mode='crossrel', directed=False, selfloops=True, reverse=False
    directed = False
    selfloops = True
    normalizer = None  # crossrel mode: accumulate raw degrees, then reciprocal_no_nan
    norms_list = tuple(
        _wl1_neighbor_norm(X, ref_a[r], ref_b[r], directed=directed,
                           selfloops=selfloops, normalizer=normalizer)
        for r in range(ref_a.shape[0])
    )
    acc = norms_list[0]
    for t in norms_list[1:]:
        acc = acc + t  # tf.math.accumulate_n
    norms = _reciprocal_no_nan(acc)
    return norms

if __name__ == "__main__":
    import jax
    _d = setup_inputs()
    print(jax.jit(kernel)(*tuple(_d.values())))

</pallas_src>

<mosaic_0001>
#map = affine_map<(d0, d1) -> (0, 0)>
#map1 = affine_map<(d0, d1) -> (0, 0, 0)>
module attributes {stable_mosaic.version = 14 : i64} {
  func.func @sc_hist(%arg0: i32, %arg1: i32, %arg2: memref<4x80000xi32, #tpu.memory_space<hbm>>, %arg3: memref<4x80000xi32, #tpu.memory_space<hbm>>, %arg4: memref<32x80x128xf32, #tpu.memory_space<hbm>>, %arg5: memref<8x2560xi32, #tpu.memory_space<vmem>>, %arg6: memref<80x128xf32, #tpu.memory_space<vmem>>, %arg7: memref<!tpu.dma_semaphore, #tpu.memory_space<semaphore_mem>>) attributes {dimension_semantics = [#tpu.dimension_semantics<core_parallel>, #tpu.dimension_semantics<subcore_parallel>], iteration_bounds = array<i64: 2, 16>, scalar_prefetch = 0 : i64, scratch_operands = 3 : i64, tpu.core_type = #tpu.core_type<sc_vector_subcore>, window_params = [{transform_indices = #map}, {transform_indices = #map}, {transform_indices = #map1}]} {
    %mul3A = arith.constant 16 : i32
    %mul3A_0 = arith.muli %arg0, %mul3A : i32
    %add3A = arith.addi %mul3A_0, %arg1 : i32
    %lt3A = arith.constant 17 : i32
    %lt3A_1 = arith.cmpi slt, %add3A, %lt3A : i32
    %mul3A_2 = arith.constant 2432 : i32
    %mul3A_3 = arith.muli %add3A, %mul3A_2 : i32
    %multiple_of3A = tpu.assume_multiple %mul3A_3, 128 : i32
    %add3A_4 = arith.constant 608 : i32
    %add3A_5 = arith.addi %add3A_4, %add3A : i32
    %mul3A_6 = arith.constant 128 : i32
    %mul3A_7 = arith.muli %add3A_5, %mul3A_6 : i32
    %multiple_of3A_8 = tpu.assume_multiple %mul3A_7, 128 : i32
    %dma_start3A = arith.constant 0 : i32
    %dma_start3A_9 = arith.constant 0 : i32
    %dma_start3A_10 = tpu.memref_slice %arg5[%dma_start3A, %dma_start3A_9] : memref<8x2560xi32, #tpu.memory_space<vmem>> -> memref<4x2432xi32, #tpu.memory_space<vmem>>
    %dma_start3A_11 = arith.constant 0 : i32
    %dma_start3A_12 = tpu.memref_slice %arg2[%dma_start3A_11, %multiple_of3A] : memref<4x80000xi32, #tpu.memory_space<hbm>> -> memref<4x2432xi32, #tpu.memory_space<hbm>>
    %dma_start3A_13 = arith.constant 0 : i32
    %dma_start3A_14 = arith.constant 0 : i32
    %dma_start3A_15 = tpu.memref_slice %arg5[%dma_start3A_13, %dma_start3A_14] : memref<8x2560xi32, #tpu.memory_space<vmem>> -> memref<4x2432xi32, #tpu.memory_space<vmem>>
    %dma_start3A_16 = arith.constant 0 : i32
    %dma_start3A_17 = tpu.memref_slice %arg2[%dma_start3A_16, %multiple_of3A] : memref<4x80000xi32, #tpu.memory_space<hbm>> -> memref<4x2432xi32, #tpu.memory_space<hbm>>
    tpu.enqueue_dma source(%dma_start3A_17 : memref<4x2432xi32, #tpu.memory_space<hbm>>) target(%dma_start3A_15 : memref<4x2432xi32, #tpu.memory_space<vmem>>) target_semaphore(%arg7 : memref<!tpu.dma_semaphore, #tpu.memory_space<semaphore_mem>>)
    %dma_start3A_18 = arith.constant 4 : i32
    %dma_start3A_19 = arith.constant 0 : i32
    %dma_start3A_20 = tpu.memref_slice %arg5[%dma_start3A_18, %dma_start3A_19] : memref<8x2560xi32, #tpu.memory_space<vmem>> -> memref<4x2432xi32, #tpu.memory_space<vmem>>
    %dma_start3A_21 = arith.constant 0 : i32
    %dma_start3A_22 = tpu.memref_slice %arg3[%dma_start3A_21, %multiple_of3A] : memref<4x80000xi32, #tpu.memory_space<hbm>> -> memref<4x2432xi32, #tpu.memory_space<hbm>>
    %dma_start3A_23 = arith.constant 4 : i32
    %dma_start3A_24 = arith.constant 0 : i32
    %dma_start3A_25 = tpu.memref_slice %arg5[%dma_start3A_23, %dma_start3A_24] : memref<8x2560xi32, #tpu.memory_space<vmem>> -> memref<4x2432xi32, #tpu.memory_space<vmem>>
    %dma_start3A_26 = arith.constant 0 : i32
    %dma_start3A_27 = tpu.memref_slice %arg3[%dma_start3A_26, %multiple_of3A] : memref<4x80000xi32, #tpu.memory_space<hbm>> -> memref<4x2432xi32, #tpu.memory_space<hbm>>
    tpu.enqueue_dma source(%dma_start3A_27 : memref<4x2432xi32, #tpu.memory_space<hbm>>) target(%dma_start3A_25 : memref<4x2432xi32, #tpu.memory_space<vmem>>) target_semaphore(%arg7 : memref<!tpu.dma_semaphore, #tpu.memory_space<semaphore_mem>>)
    %convert_element_type3A = arith.extui %lt3A_1 : i1 to i32
    %cond3A = arith.constant 0 : i32
    %cond3A_28 = arith.cmpi ne, %convert_element_type3A, %cond3A : i32
    scf.if %cond3A_28 {
      %dma_start3A_59 = arith.constant 0 : i32
      %dma_start3A_60 = arith.constant 2432 : i32
      %dma_start3A_61 = tpu.memref_slice %arg5[%dma_start3A_59, %dma_start3A_60] : memref<8x2560xi32, #tpu.memory_space<vmem>> -> memref<4x128xi32, #tpu.memory_space<vmem>>
      %dma_start3A_62 = arith.constant 0 : i32
      %dma_start3A_63 = tpu.memref_slice %arg2[%dma_start3A_62, %multiple_of3A_8] : memref<4x80000xi32, #tpu.memory_space<hbm>> -> memref<4x128xi32, #tpu.memory_space<hbm>>
      %dma_start3A_64 = arith.constant 0 : i32
      %dma_start3A_65 = arith.constant 2432 : i32
      %dma_start3A_66 = tpu.memref_slice %arg5[%dma_start3A_64, %dma_start3A_65] : memref<8x2560xi32, #tpu.memory_space<vmem>> -> memref<4x128xi32, #tpu.memory_space<vmem>>
      %dma_start3A_67 = arith.constant 0 : i32
      %dma_start3A_68 = tpu.memref_slice %arg2[%dma_start3A_67, %multiple_of3A_8] : memref<4x80000xi32, #tpu.memory_space<hbm>> -> memref<4x128xi32, #tpu.memory_space<hbm>>
      tpu.enqueue_dma source(%dma_start3A_68 : memref<4x128xi32, #tpu.memory_space<hbm>>) target(%dma_start3A_66 : memref<4x128xi32, #tpu.memory_space<vmem>>) target_semaphore(%arg7 : memref<!tpu.dma_semaphore, #tpu.memory_space<semaphore_mem>>)
      %dma_wait3A_69 = arith.constant 0 : i32
      %dma_wait3A_70 = arith.constant 2432 : i32
      %dma_wait3A_71 = tpu.memref_slice %arg5[%dma_wait3A_69, %dma_wait3A_70] : memref<8x2560xi32, #tpu.memory_space<vmem>> -> memref<4x128xi32, #tpu.memory_space<vmem>>
      %dma_wait3A_72 = arith.constant 0 : i32
      %dma_wait3A_73 = tpu.memref_slice %arg2[%dma_wait3A_72, %multiple_of3A_8] : memref<4x80000xi32, #tpu.memory_space<hbm>> -> memref<4x128xi32, #tpu.memory_space<hbm>>
      %dma_wait3A_74 = arith.constant 0 : i32
      %dma_wait3A_75 = arith.constant 2432 : i32
      %dma_wait3A_76 = tpu.memref_slice %arg5[%dma_wait3A_74, %dma_wait3A_75] : memref<8x2560xi32, #tpu.memory_space<vmem>> -> memref<4x128xi32, #tpu.memory_space<vmem>>
      %dma_wait3A_77 = arith.constant 0 : i32
      %dma_wait3A_78 = tpu.memref_slice %arg2[%dma_wait3A_77, %multiple_of3A_8] : memref<4x80000xi32, #tpu.memory_space<hbm>> -> memref<4x128xi32, #tpu.memory_space<hbm>>
      tpu.wait_dma2 semaphore(%arg7 : memref<!tpu.dma_semaphore, #tpu.memory_space<semaphore_mem>>) src(%dma_wait3A_78 : memref<4x128xi32, #tpu.memory_space<hbm>>) dst(%dma_wait3A_76 : memref<4x128xi32, #tpu.memory_space<vmem>>)
      %dma_start3A_79 = arith.constant 4 : i32
      %dma_start3A_80 = arith.constant 2432 : i32
      %dma_start3A_81 = tpu.memref_slice %arg5[%dma_start3A_79, %dma_start3A_80] : memref<8x2560xi32, #tpu.memory_space<vmem>> -> memref<4x128xi32, #tpu.memory_space<vmem>>
      %dma_start3A_82 = arith.constant 0 : i32
      %dma_start3A_83 = tpu.memref_slice %arg3[%dma_start3A_82, %multiple_of3A_8] : memref<4x80000xi32, #tpu.memory_space<hbm>> -> memref<4x128xi32, #tpu.memory_space<hbm>>
      %dma_start3A_84 = arith.constant 4 : i32
      %dma_start3A_85 = arith.constant 2432 : i32
      %dma_start3A_86 = tpu.memref_slice %arg5[%dma_start3A_84, %dma_start3A_85] : memref<8x2560xi32, #tpu.memory_space<vmem>> -> memref<4x128xi32, #tpu.memory_space<vmem>>
      %dma_start3A_87 = arith.constant 0 : i32
      %dma_start3A_88 = tpu.memref_slice %arg3[%dma_start3A_87, %multiple_of3A_8] : memref<4x80000xi32, #tpu.memory_space<hbm>> -> memref<4x128xi32, #tpu.memory_space<hbm>>
      tpu.enqueue_dma source(%dma_start3A_88 : memref<4x128xi32, #tpu.memory_space<hbm>>) target(%dma_start3A_86 : memref<4x128xi32, #tpu.memory_space<vmem>>) target_semaphore(%arg7 : memref<!tpu.dma_semaphore, #tpu.memory_space<semaphore_mem>>)
      %dma_wait3A_89 = arith.constant 4 : i32
      %dma_wait3A_90 = arith.constant 2432 : i32
      %dma_wait3A_91 = tpu.memref_slice %arg5[%dma_wait3A_89, %dma_wait3A_90] : memref<8x2560xi32, #tpu.memory_space<vmem>> -> memref<4x128xi32, #tpu.memory_space<vmem>>
      %dma_wait3A_92 = arith.constant 0 : i32
      %dma_wait3A_93 = tpu.memref_slice %arg3[%dma_wait3A_92, %multiple_of3A_8] : memref<4x80000xi32, #tpu.memory_space<hbm>> -> memref<4x128xi32, #tpu.memory_space<hbm>>
      %dma_wait3A_94 = arith.constant 4 : i32
      %dma_wait3A_95 = arith.constant 2432 : i32
      %dma_wait3A_96 = tpu.memref_slice %arg5[%dma_wait3A_94, %dma_wait3A_95] : memref<8x2560xi32, #tpu.memory_space<vmem>> -> memref<4x128xi32, #tpu.memory_space<vmem>>
      %dma_wait3A_97 = arith.constant 0 : i32
      %dma_wait3A_98 = tpu.memref_slice %arg3[%dma_wait3A_97, %multiple_of3A_8] : memref<4x80000xi32, #tpu.memory_space<hbm>> -> memref<4x128xi32, #tpu.memory_space<hbm>>
      tpu.wait_dma2 semaphore(%arg7 : memref<!tpu.dma_semaphore, #tpu.memory_space<semaphore_mem>>) src(%dma_wait3A_98 : memref<4x128xi32, #tpu.memory_space<hbm>>) dst(%dma_wait3A_96 : memref<4x128xi32, #tpu.memory_space<vmem>>)
    } else {
    }
    %broadcast_in_dim3A = arith.constant 0.000000e+00 : f32
    %broadcast_in_dim3A_29 = vector.broadcast %broadcast_in_dim3A : f32 to vector<16xf32>
    %scan3A = arith.constant 0 : i32
    %scan3A_30 = arith.constant 0 : i32
    %scan3A_31 = arith.constant 640 : i32
    %scan3A_32 = arith.addi %scan3A_30, %scan3A_31 : i32
    %scan3A_33 = arith.constant 4 : i32
    %scan3A_34 = scf.for %scan3A_59 = %scan3A_30 to %scan3A_32 step %scan3A_33 iter_args(%scan3A_60 = %scan3A) -> (i32)  : i32 {
      %shift_right_arithmetic3A = arith.constant 3 : i32
      %shift_right_arithmetic3A_61 = arith.shrsi %scan3A_59, %shift_right_arithmetic3A : i32
      %and3A = arith.constant 7 : i32
      %and3A_62 = arith.andi %scan3A_59, %and3A : i32
      %mul3A_63 = arith.constant 16 : i32
      %mul3A_64 = arith.muli %and3A_62, %mul3A_63 : i32
      %swap3A = arith.index_cast %shift_right_arithmetic3A_61 : i32 to index
      %swap3A_65 = arith.index_cast %mul3A_64 : i32 to index
      %swap3A_66 = tpu.vector_load %arg6[%swap3A, %swap3A_65] {strides = array<i32>} : memref<80x128xf32, #tpu.memory_space<vmem>>, vector<16xf32>,
      tpu.vector_store %arg6[%swap3A, %swap3A_65], %broadcast_in_dim3A_29 {strides = array<i32>} : memref<80x128xf32, #tpu.memory_space<vmem>>, vector<16xf32>,
      %scan3A_67 = arith.constant 0 : i32
      %scan3A_68 = arith.constant 1 : i32
      %scan3A_69 = arith.addi %scan3A_59, %scan3A_68 : i32
      %shift_right_arithmetic3A_70 = arith.constant 3 : i32
      %shift_right_arithmetic3A_71 = arith.shrsi %scan3A_69, %shift_right_arithmetic3A_70 : i32
      %and3A_72 = arith.constant 7 : i32
      %and3A_73 = arith.andi %scan3A_69, %and3A_72 : i32
      %mul3A_74 = arith.constant 16 : i32
      %mul3A_75 = arith.muli %and3A_73, %mul3A_74 : i32
      %swap3A_76 = arith.index_cast %shift_right_arithmetic3A_71 : i32 to index
      %swap3A_77 = arith.index_cast %mul3A_75 : i32 to index
      %swap3A_78 = tpu.vector_load %arg6[%swap3A_76, %swap3A_77] {strides = array<i32>} : memref<80x128xf32, #tpu.memory_space<vmem>>, vector<16xf32>,
      tpu.vector_store %arg6[%swap3A_76, %swap3A_77], %broadcast_in_dim3A_29 {strides = array<i32>} : memref<80x128xf32, #tpu.memory_space<vmem>>, vector<16xf32>,
      %scan3A_79 = arith.constant 0 : i32
      %scan3A_80 = arith.constant 2 : i32
      %scan3A_81 = arith.addi %scan3A_59, %scan3A_80 : i32
      %shift_right_arithmetic3A_82 = arith.constant 3 : i32
      %shift_right_arithmetic3A_83 = arith.shrsi %scan3A_81, %shift_right_arithmetic3A_82 : i32
      %and3A_84 = arith.constant 7 : i32
      %and3A_85 = arith.andi %scan3A_81, %and3A_84 : i32
      %mul3A_86 = arith.constant 16 : i32
      %mul3A_87 = arith.muli %and3A_85, %mul3A_86 : i32
      %swap3A_88 = arith.index_cast %shift_right_arithmetic3A_83 : i32 to index
      %swap3A_89 = arith.index_cast %mul3A_87 : i32 to index
      %swap3A_90 = tpu.vector_load %arg6[%swap3A_88, %swap3A_89] {strides = array<i32>} : memref<80x128xf32, #tpu.memory_space<vmem>>, vector<16xf32>,
      tpu.vector_store %arg6[%swap3A_88, %swap3A_89], %broadcast_in_dim3A_29 {strides = array<i32>} : memref<80x128xf32, #tpu.memory_space<vmem>>, vector<16xf32>,
      %scan3A_91 = arith.constant 0 : i32
      %scan3A_92 = arith.constant 3 : i32
      %scan3A_93 = arith.addi %scan3A_59, %scan3A_92 : i32
      %shift_right_arithmetic3A_94 = arith.constant 3 : i32
      %shift_right_arithmetic3A_95 = arith.shrsi %scan3A_93, %shift_right_arithmetic3A_94 : i32
      %and3A_96 = arith.constant 7 : i32
      %and3A_97 = arith.andi %scan3A_93, %and3A_96 : i32
      %mul3A_98 = arith.constant 16 : i32
      %mul3A_99 = arith.muli %and3A_97, %mul3A_98 : i32
      %swap3A_100 = arith.index_cast %shift_right_arithmetic3A_95 : i32 to index
      %swap3A_101 = arith.index_cast %mul3A_99 : i32 to index
      %swap3A_102 = tpu.vector_load %arg6[%swap3A_100, %swap3A_101] {strides = array<i32>} : memref<80x128xf32, #tpu.memory_space<vmem>>, vector<16xf32>,
      tpu.vector_store %arg6[%swap3A_100, %swap3A_101], %broadcast_in_dim3A_29 {strides = array<i32>} : memref<80x128xf32, #tpu.memory_space<vmem>>, vector<16xf32>,
      %scan3A_103 = arith.constant 0 : i32
      scf.yield %scan3A_103 : i32
    }
    %scan3A_35 = arith.constant 640 : i32
    %dma_wait3A = arith.constant 0 : i32
    %dma_wait3A_36 = arith.constant 0 : i32
    %dma_wait3A_37 = tpu.memref_slice %arg5[%dma_wait3A, %dma_wait3A_36] : memref<8x2560xi32, #tpu.memory_space<vmem>> -> memref<4x2432xi32, #tpu.memory_space<vmem>>
    %dma_wait3A_38 = arith.constant 0 : i32
    %dma_wait3A_39 = tpu.memref_slice %arg2[%dma_wait3A_38, %multiple_of3A] : memref<4x80000xi32, #tpu.memory_space<hbm>> -> memref<4x2432xi32, #tpu.memory_space<hbm>>
    %dma_wait3A_40 = arith.constant 0 : i32
    %dma_wait3A_41 = arith.constant 0 : i32
    %dma_wait3A_42 = tpu.memref_slice %arg5[%dma_wait3A_40, %dma_wait3A_41] : memref<8x2560xi32, #tpu.memory_space<vmem>> -> memref<4x2432xi32, #tpu.memory_space<vmem>>
    %dma_wait3A_43 = arith.constant 0 : i32
    %dma_wait3A_44 = tpu.memref_slice %arg2[%dma_wait3A_43, %multiple_of3A] : memref<4x80000xi32, #tpu.memory_space<hbm>> -> memref<4x2432xi32, #tpu.memory_space<hbm>>
    tpu.wait_dma2 semaphore(%arg7 : memref<!tpu.dma_semaphore, #tpu.memory_space<semaphore_mem>>) src(%dma_wait3A_44 : memref<4x2432xi32, #tpu.memory_space<hbm>>) dst(%dma_wait3A_42 : memref<4x2432xi32, #tpu.memory_space<vmem>>)
    %dma_wait3A_45 = arith.constant 4 : i32
    %dma_wait3A_46 = arith.constant 0 : i32
    %dma_wait3A_47 = tpu.memref_slice %arg5[%dma_wait3A_45, %dma_wait3A_46] : memref<8x2560xi32, #tpu.memory_space<vmem>> -> memref<4x2432xi32, #tpu.memory_space<vmem>>
    %dma_wait3A_48 = arith.constant 0 : i32
    %dma_wait3A_49 = tpu.memref_slice %arg3[%dma_wait3A_48, %multiple_of3A] : memref<4x80000xi32, #tpu.memory_space<hbm>> -> memref<4x2432xi32, #tpu.memory_space<hbm>>
    %dma_wait3A_50 = arith.constant 4 : i32
    %dma_wait3A_51 = arith.constant 0 : i32
    %dma_wait3A_52 = tpu.memref_slice %arg5[%dma_wait3A_50, %dma_wait3A_51] : memref<8x2560xi32, #tpu.memory_space<vmem>> -> memref<4x2432xi32, #tpu.memory_space<vmem>>
    %dma_wait3A_53 = arith.constant 0 : i32
    %dma_wait3A_54 = tpu.memref_slice %arg3[%dma_wait3A_53, %multiple_of3A] : memref<4x80000xi32, #tpu.memory_space<hbm>> -> memref<4x2432xi32, #tpu.memory_space<hbm>>
    tpu.wait_dma2 semaphore(%arg7 : memref<!tpu.dma_semaphore, #tpu.memory_space<semaphore_mem>>) src(%dma_wait3A_54 : memref<4x2432xi32, #tpu.memory_space<hbm>>) dst(%dma_wait3A_52 : memref<4x2432xi32, #tpu.memory_space<vmem>>)
    %broadcast_in_dim3A_55 = arith.constant 1.000000e+00 : f32
    %broadcast_in_dim3A_56 = vector.broadcast %broadcast_in_dim3A_55 : f32 to vector<16xf32>
    %jit3A = arith.constant 2560 : i32
    %jit3A_57 = arith.constant 2432 : i32
    %select_n3A = arith.select %lt3A_1, %jit3A, %jit3A_57 : i32
    %parallel_loop3A = arith.constant 0 : i32
    %parallel_loop3A_58 = arith.constant 16 : i32
    scf.for %parallel_loop3A_59 = %parallel_loop3A to %select_n3A step %parallel_loop3A_58  : i32 {
      %parallel_loop3A_60 = arith.constant 0 : i32
      %parallel_loop3A_61 = arith.index_cast %parallel_loop3A_60 : i32 to index
      %parallel_loop3A_62 = arith.index_cast %parallel_loop3A_59 : i32 to index
      %parallel_loop3A_63 = tpu.vector_load %arg5[%parallel_loop3A_61, %parallel_loop3A_62] {strides = array<i32>} : memref<8x2560xi32, #tpu.memory_space<vmem>>, vector<16xi32>,
      %parallel_loop3A_64 = arith.constant 7 : i32
      %parallel_loop3A_65 = vector.broadcast %parallel_loop3A_64 : i32 to vector<16xi32>
      %parallel_loop3A_66 = arith.shrsi %parallel_loop3A_63, %parallel_loop3A_65 : vector<16xi32>
      %parallel_loop3A_67 = arith.constant 127 : i32
      %parallel_loop3A_68 = vector.broadcast %parallel_loop3A_67 : i32 to vector<16xi32>
      %parallel_loop3A_69 = arith.andi %parallel_loop3A_63, %parallel_loop3A_68 : vector<16xi32>
      tpu.vector_store_idx %arg6[%parallel_loop3A_66, %parallel_loop3A_69], %broadcast_in_dim3A_56 {add = true} : memref<80x128xf32, #tpu.memory_space<vmem>>[vector<16xi32>, vector<16xi32>], vector<16xf32>,
      %parallel_loop3A_70 = arith.constant 1 : i32
      %parallel_loop3A_71 = arith.index_cast %parallel_loop3A_70 : i32 to index
      %parallel_loop3A_72 = arith.index_cast %parallel_loop3A_59 : i32 to index
      %parallel_loop3A_73 = tpu.vector_load %arg5[%parallel_loop3A_71, %parallel_loop3A_72] {strides = array<i32>} : memref<8x2560xi32, #tpu.memory_space<vmem>>, vector<16xi32>,
      %parallel_loop3A_74 = arith.constant 7 : i32
      %parallel_loop3A_75 = vector.broadcast %parallel_loop3A_74 : i32 to vector<16xi32>
      %parallel_loop3A_76 = arith.shrsi %parallel_loop3A_73, %parallel_loop3A_75 : vector<16xi32>
      %parallel_loop3A_77 = arith.constant 127 : i32
      %parallel_loop3A_78 = vector.broadcast %parallel_loop3A_77 : i32 to vector<16xi32>
      %parallel_loop3A_79 = arith.andi %parallel_loop3A_73, %parallel_loop3A_78 : vector<16xi32>
      tpu.vector_store_idx %arg6[%parallel_loop3A_76, %parallel_loop3A_79], %broadcast_in_dim3A_56 {add = true} : memref<80x128xf32, #tpu.memory_space<vmem>>[vector<16xi32>, vector<16xi32>], vector<16xf32>,
      %parallel_loop3A_80 = arith.constant 2 : i32
      %parallel_loop3A_81 = arith.index_cast %parallel_loop3A_80 : i32 to index
      %parallel_loop3A_82 = arith.index_cast %parallel_loop3A_59 : i32 to index
      %parallel_loop3A_83 = tpu.vector_load %arg5[%parallel_loop3A_81, %parallel_loop3A_82] {strides = array<i32>} : memref<8x2560xi32, #tpu.memory_space<vmem>>, vector<16xi32>,
      %parallel_loop3A_84 = arith.constant 7 : i32
      %parallel_loop3A_85 = vector.broadcast %parallel_loop3A_84 : i32 to vector<16xi32>
      %parallel_loop3A_86 = arith.shrsi %parallel_loop3A_83, %parallel_loop3A_85 : vector<16xi32>
      %parallel_loop3A_87 = arith.constant 127 : i32
      %parallel_loop3A_88 = vector.broadcast %parallel_loop3A_87 : i32 to vector<16xi32>
      %parallel_loop3A_89 = arith.andi %parallel_loop3A_83, %parallel_loop3A_88 : vector<16xi32>
      tpu.vector_store_idx %arg6[%parallel_loop3A_86, %parallel_loop3A_89], %broadcast_in_dim3A_56 {add = true} : memref<80x128xf32, #tpu.memory_space<vmem>>[vector<16xi32>, vector<16xi32>], vector<16xf32>,
      %parallel_loop3A_90 = arith.constant 3 : i32
      %parallel_loop3A_91 = arith.index_cast %parallel_loop3A_90 : i32 to index
      %parallel_loop3A_92 = arith.index_cast %parallel_loop3A_59 : i32 to index
      %parallel_loop3A_93 = tpu.vector_load %arg5[%parallel_loop3A_91, %parallel_loop3A_92] {strides = array<i32>} : memref<8x2560xi32, #tpu.memory_space<vmem>>, vector<16xi32>,
      %parallel_loop3A_94 = arith.constant 7 : i32
      %parallel_loop3A_95 = vector.broadcast %parallel_loop3A_94 : i32 to vector<16xi32>
      %parallel_loop3A_96 = arith.shrsi %parallel_loop3A_93, %parallel_loop3A_95 : vector<16xi32>
      %parallel_loop3A_97 = arith.constant 127 : i32
      %parallel_loop3A_98 = vector.broadcast %parallel_loop3A_97 : i32 to vector<16xi32>
      %parallel_loop3A_99 = arith.andi %parallel_loop3A_93, %parallel_loop3A_98 : vector<16xi32>
      tpu.vector_store_idx %arg6[%parallel_loop3A_96, %parallel_loop3A_99], %broadcast_in_dim3A_56 {add = true} : memref<80x128xf32, #tpu.memory_space<vmem>>[vector<16xi32>, vector<16xi32>], vector<16xf32>,
      %parallel_loop3A_100 = arith.constant 4 : i32
      %parallel_loop3A_101 = arith.index_cast %parallel_loop3A_100 : i32 to index
      %parallel_loop3A_102 = arith.index_cast %parallel_loop3A_59 : i32 to index
      %parallel_loop3A_103 = tpu.vector_load %arg5[%parallel_loop3A_101, %parallel_loop3A_102] {strides = array<i32>} : memref<8x2560xi32, #tpu.memory_space<vmem>>, vector<16xi32>,
      %parallel_loop3A_104 = arith.constant 7 : i32
      %parallel_loop3A_105 = vector.broadcast %parallel_loop3A_104 : i32 to vector<16xi32>
      %parallel_loop3A_106 = arith.shrsi %parallel_loop3A_103, %parallel_loop3A_105 : vector<16xi32>
      %parallel_loop3A_107 = arith.constant 127 : i32
      %parallel_loop3A_108 = vector.broadcast %parallel_loop3A_107 : i32 to vector<16xi32>
      %parallel_loop3A_109 = arith.andi %parallel_loop3A_103, %parallel_loop3A_108 : vector<16xi32>
      tpu.vector_store_idx %arg6[%parallel_loop3A_106, %parallel_loop3A_109], %broadcast_in_dim3A_56 {add = true} : memref<80x128xf32, #tpu.memory_space<vmem>>[vector<16xi32>, vector<16xi32>], vector<16xf32>,
      %parallel_loop3A_110 = arith.constant 5 : i32
      %parallel_loop3A_111 = arith.index_cast %parallel_loop3A_110 : i32 to index
      %parallel_loop3A_112 = arith.index_cast %parallel_loop3A_59 : i32 to index
      %parallel_loop3A_113 = tpu.vector_load %arg5[%parallel_loop3A_111, %parallel_loop3A_112] {strides = array<i32>} : memref<8x2560xi32, #tpu.memory_space<vmem>>, vector<16xi32>,
      %parallel_loop3A_114 = arith.constant 7 : i32
      %parallel_loop3A_115 = vector.broadcast %parallel_loop3A_114 : i32 to vector<16xi32>
      %parallel_loop3A_116 = arith.shrsi %parallel_loop3A_113, %parallel_loop3A_115 : vector<16xi32>
      %parallel_loop3A_117 = arith.constant 127 : i32
      %parallel_loop3A_118 = vector.broadcast %parallel_loop3A_117 : i32 to vector<16xi32>
      %parallel_loop3A_119 = arith.andi %parallel_loop3A_113, %parallel_loop3A_118 : vector<16xi32>
      tpu.vector_store_idx %arg6[%parallel_loop3A_116, %parallel_loop3A_119], %broadcast_in_dim3A_56 {add = true} : memref<80x128xf32, #tpu.memory_space<vmem>>[vector<16xi32>, vector<16xi32>], vector<16xf32>,
      %parallel_loop3A_120 = arith.constant 6 : i32
      %parallel_loop3A_121 = arith.index_cast %parallel_loop3A_120 : i32 to index
      %parallel_loop3A_122 = arith.index_cast %parallel_loop3A_59 : i32 to index
      %parallel_loop3A_123 = tpu.vector_load %arg5[%parallel_loop3A_121, %parallel_loop3A_122] {strides = array<i32>} : memref<8x2560xi32, #tpu.memory_space<vmem>>, vector<16xi32>,
      %parallel_loop3A_124 = arith.constant 7 : i32
      %parallel_loop3A_125 = vector.broadcast %parallel_loop3A_124 : i32 to vector<16xi32>
      %parallel_loop3A_126 = arith.shrsi %parallel_loop3A_123, %parallel_loop3A_125 : vector<16xi32>
      %parallel_loop3A_127 = arith.constant 127 : i32
      %parallel_loop3A_128 = vector.broadcast %parallel_loop3A_127 : i32 to vector<16xi32>
      %parallel_loop3A_129 = arith.andi %parallel_loop3A_123, %parallel_loop3A_128 : vector<16xi32>
      tpu.vector_store_idx %arg6[%parallel_loop3A_126, %parallel_loop3A_129], %broadcast_in_dim3A_56 {add = true} : memref<80x128xf32, #tpu.memory_space<vmem>>[vector<16xi32>, vector<16xi32>], vector<16xf32>,
      %parallel_loop3A_130 = arith.constant 7 : i32
      %parallel_loop3A_131 = arith.index_cast %parallel_loop3A_130 : i32 to index
      %parallel_loop3A_132 = arith.index_cast %parallel_loop3A_59 : i32 to index
      %parallel_loop3A_133 = tpu.vector_load %arg5[%parallel_loop3A_131, %parallel_loop3A_132] {strides = array<i32>} : memref<8x2560xi32, #tpu.memory_space<vmem>>, vector<16xi32>,
      %parallel_loop3A_134 = arith.constant 7 : i32
      %parallel_loop3A_135 = vector.broadcast %parallel_loop3A_134 : i32 to vector<16xi32>
      %parallel_loop3A_136 = arith.shrsi %parallel_loop3A_133, %parallel_loop3A_135 : vector<16xi32>
      %parallel_loop3A_137 = arith.constant 127 : i32
      %parallel_loop3A_138 = vector.broadcast %parallel_loop3A_137 : i32 to vector<16xi32>
      %parallel_loop3A_139 = arith.andi %parallel_loop3A_133, %parallel_loop3A_138 : vector<16xi32>
      tpu.vector_store_idx %arg6[%parallel_loop3A_136, %parallel_loop3A_139], %broadcast_in_dim3A_56 {add = true} : memref<80x128xf32, #tpu.memory_space<vmem>>[vector<16xi32>, vector<16xi32>], vector<16xf32>,
    } {sc.loop_unroll_factor = 2 : i64, sc.parallel_access}
    "tpu.region"() ({
      %run_scoped3A = tpu.sem_alloc : memref<!tpu.dma_semaphore, #tpu.memory_space<semaphore_mem>>
      %dma_start3A_59 = arith.constant 0 : i32
      %dma_start3A_60 = arith.constant 0 : i32
      %dma_start3A_61 = tpu.memref_slice %arg4[%add3A, %dma_start3A_59, %dma_start3A_60] : memref<32x80x128xf32, #tpu.memory_space<hbm>> -> memref<1x80x128xf32, #tpu.memory_space<hbm>>
      %dma_start3A_62 = tpu.memref_squeeze %dma_start3A_61 : memref<1x80x128xf32, #tpu.memory_space<hbm>> -> memref<80x128xf32, #tpu.memory_space<hbm>>
      %dma_start3A_63 = arith.constant 0 : i32
      %dma_start3A_64 = arith.constant 0 : i32
      %dma_start3A_65 = tpu.memref_slice %arg4[%add3A, %dma_start3A_63, %dma_start3A_64] : memref<32x80x128xf32, #tpu.memory_space<hbm>> -> memref<1x80x128xf32, #tpu.memory_space<hbm>>
      %dma_start3A_66 = tpu.memref_squeeze %dma_start3A_65 : memref<1x80x128xf32, #tpu.memory_space<hbm>> -> memref<80x128xf32, #tpu.memory_space<hbm>>
      tpu.enqueue_dma source(%arg6 : memref<80x128xf32, #tpu.memory_space<vmem>>) target(%dma_start3A_66 : memref<80x128xf32, #tpu.memory_space<hbm>>) target_semaphore(%run_scoped3A : memref<!tpu.dma_semaphore, #tpu.memory_space<semaphore_mem>>)
      %dma_wait3A_67 = arith.constant 0 : i32
      %dma_wait3A_68 = arith.constant 0 : i32
      %dma_wait3A_69 = tpu.memref_slice %arg4[%add3A, %dma_wait3A_67, %dma_wait3A_68] : memref<32x80x128xf32, #tpu.memory_space<hbm>> -> memref<1x80x128xf32, #tpu.memory_space<hbm>>
      %dma_wait3A_70 = tpu.memref_squeeze %dma_wait3A_69 : memref<1x80x128xf32, #tpu.memory_space<hbm>> -> memref<80x128xf32, #tpu.memory_space<hbm>>
      %dma_wait3A_71 = arith.constant 0 : i32
      %dma_wait3A_72 = arith.constant 0 : i32
      %dma_wait3A_73 = tpu.memref_slice %arg4[%add3A, %dma_wait3A_71, %dma_wait3A_72] : memref<32x80x128xf32, #tpu.memory_space<hbm>> -> memref<1x80x128xf32, #tpu.memory_space<hbm>>
      %dma_wait3A_74 = tpu.memref_squeeze %dma_wait3A_73 : memref<1x80x128xf32, #tpu.memory_space<hbm>> -> memref<80x128xf32, #tpu.memory_space<hbm>>
      tpu.wait_dma2 semaphore(%run_scoped3A : memref<!tpu.dma_semaphore, #tpu.memory_space<semaphore_mem>>) src(%arg6 : memref<80x128xf32, #tpu.memory_space<vmem>>) dst(%dma_wait3A_74 : memref<80x128xf32, #tpu.memory_space<hbm>>)
      tpu.yield
    }) : () -> ()
    return
  }
}

module attributes {stable_mosaic.version = 14 : i64} {
  func.func @_tc_combine_body(%arg0: memref<32x80x128xf32, #tpu.memory_space<vmem>>, %arg1: memref<80x128xf32, #tpu.memory_space<vmem>>) attributes {dimension_semantics = [], scalar_prefetch = 0 : i64, scratch_operands = 0 : i64, tpu.core_type = #tpu.core_type<tc>} {
    %get3A = arith.constant 0 : index
    %get3A_0 = arith.constant 0 : index
    %get3A_1 = arith.constant 0 : index
    %get3A_2 = vector.load %arg0[%get3A, %get3A_0, %get3A_1] : memref<32x80x128xf32, #tpu.memory_space<vmem>>, vector<32x80x128xf32>
    %reduce_sum3A = arith.constant dense<0.000000e+00> : vector<80x128xf32>
    %reduce_sum3A_3 = vector.multi_reduction <add>, %get3A_2, %reduce_sum3A [0] : vector<32x80x128xf32> to vector<80x128xf32>
    %add3A = arith.constant 4.000000e+00 : f32
    %add3A_4 = vector.broadcast %add3A : f32 to vector<80x128xf32>
    %add3A_5 = arith.addf %reduce_sum3A_3, %add3A_4 : vector<80x128xf32>
    %div3A = arith.constant 1.000000e+00 : f32
    %div3A_6 = vector.broadcast %div3A : f32 to vector<80x128xf32>
    %div3A_7 = arith.divf %div3A_6, %add3A_5 : vector<80x128xf32>
    %swap3A = arith.constant 0 : index
    %swap3A_8 = arith.constant 0 : index
    %swap3A_9 = vector.load %arg1[%swap3A, %swap3A_8] : memref<80x128xf32, #tpu.memory_space<vmem>>, vector<80x128xf32>
    tpu.vector_store %arg1[%swap3A, %swap3A_8], %div3A_7 {strides = array<i32>} : memref<80x128xf32, #tpu.memory_space<vmem>>, vector<80x128xf32>,
    return
  }
}

</mosaic_0001>

<sc_bundles>
// kernel: kernel.4.cloned.1.call-start
scs
__scs_entry_jumppad:
0x0: {  	(pc) =	sbr.rel $0x88, $3  }
0x1: {  	(tag) =	ssettag $0x0;
	lr =	simm.s32 $0x1  }
0x2: {  	[smem:$0x3F9F] =	sst lr;
	_ =	strace $0xD0000000  }
0x3: {  	_ = 	snop  }
0x4: {  	_ = 	snop  }
0x5: {  	_ = 	snop  }
0x6: {  	_ = 	snop  }
0x7: {  	_ = 	snop  }
__scs_overlays_trampoline_lowered:
0x8: {  	[smem:$0x3FAE] =	sst s0  }
0x9: {  	[smem:$0x3FAF] =	sst s1  }
0xa: {  	[smem:$0x3FB0] =	sst s2  }
0xb: {  	[smem:$0x3FB1] =	sst s3  }
0xc: {  	[smem:$0x3FB2] =	sst s4  }
0xd: {  	[smem:$0x3FB3] =	sst s5  }
0xe: {  	[smem:$0x3FB4] =	sst s6  }
0xf: {  	[smem:$0x3FB5] =	sst s7  }
0x10: {  	[smem:$0x3FB6] =	sst s8  }
0x11: {  	[smem:$0x3FB7] =	sst s9;
	s0 =	simm.s32 @!p0 $0x0  }
0x12: {  	s1 =	sld [smem:$0x3F9D];
	s0 =	simm.s32 @p0 $0x1  }
0x13: {  	[smem:$0x3FB8] =	sst s0;
	s0 =	simm.s32 @!p1 $0x0  }
0x14: {  	s2 =	sld [smem:$0x3F9C];
	s0 =	simm.s32 @p1 $0x1  }
0x15: {  	[smem:$0x3FB9] =	sst s0;
	s0 =	simm.s32 @!p2 $0x0  }
0x16: {  	s3 =	sld [smem:$0x3FDB];
	s0 =	simm.s32 @p2 $0x1  }
0x17: {  	s4 =	simm.s32 $0x1BF5;
	[smem:$0x3FBB] =	sst s0  }
0x18: {  	s0 =	sld [smem:$0x3F9E];
	_ =	swait.ge [sflag:s4], $0x0  }
0x19: {  	s7 =	sld [smem:$0x3F9F]  }
0x1a: {  	s8 =	sadd.s32 $0xFFFFE003, lr  }
0x1b: {  	s9 =	sadd.s32 $0xFFFFFEF7, lr;
	s5 =	simm.s32 $0xFFFFFFFF;
	p2 =	slt.u32 s8, $0xFFFFF086  }
0x1c: {  	p1 =	slt.u32 s9, $0xF7A;
	s5 =	simm.s32 @!p2 $0x0  }
0x1d: {  	s5 =	simm.s32 @p1 $0x1;
	p0 =	seq.s32 s7, s2  }
0x1e: {  	s7 =	smul.u32 @!p0 $0xF7A, s2;
	p2 =	seq.s32 @!p0 s5, $0x0  }
0x1f: {  	s9 =	smul.u32 $0xF7A, s1;
	s8 =	simm.s32 @!p0 $0x1BF5;
	p2 =	por !p2, p0  }
0x20: {  	[sflag:s8] =	ssyncset.s32 @!p0 $0xFFFFF086;
	s6 =	sadd.s32 @!p0 s3, s7;
	s7 =	simm.s32 @!p0 $0x108  }
0x21: {  	s3 =	sadd.s32 s3, s9;
	s6 =	sadd.s32 @!p0 $0x88, s6;
	s7 =	simm.s32 @p2 $0x1082  }
0x22: {  	[simem:s7], [sflag:s8] =	dma.local @!p0 [hbm:s6], $0xF7A  }
0x23: {  	s9 =	sor.u32 $0xD0000000, s2;
	s6 =	simm.s32 $0x108;
	_ =	swait.ge @!p0 [sflag:s8], $0x0  }
0x24: {  	s3 =	sadd.s32 $0x88, s3;
	s6 =	simm.s32 @!p1 $0x1082;
	[sflag:s4] =	ssyncset.s32 $0xFFFFF086  }
0x25: {  	[simem:s6], [sflag:s4] =	dma.local [hbm:s3], $0xF7A  }
0x26: {  	[smem:$0x3F9F] =	sst s1;
	(tag) =	ssettag s2;
	_ =	strace s9  }
0x27: {  	s1 =	sld [smem:$0x3FAF]  }
0x28: {  	s2 =	sld [smem:$0x3FB0]  }
0x29: {  	s4 =	sld [smem:$0x3FB2]  }
0x2a: {  	p0 =	seq.s32 s5, $0x0;
	s5 =	sld [smem:$0x3FB3]  }
0x2b: {  	s6 =	sld [smem:$0x3FB4]  }
0x2c: {  	s7 =	sld [smem:$0x3FB5]  }
0x2d: {  	s3 =	simm.s32 $0x108;
	s8 =	sld [smem:$0x3FB6]  }
0x2e: {  	s3 =	simm.s32 @!p0 $0x1082;
	s9 =	sld [smem:$0x3FB7]  }
0x2f: {  	lr =	sadd.s32 s0, s3;
	s0 =	sld [smem:$0x3FAE]  }
0x30: {  	s3 =	sld [smem:$0x3FB1]  }
0x31: {  	[smem:$0x3FBA] =	sst s10  }
0x32: {  	s10 =	sld [smem:$0x3FB8];
	_ =	sdelay $0x3  }
0x33: {  	p0 =	seq.s32 s10, $0x1;
	s10 =	sld [smem:$0x3FBA];
	_ =	sdelay $0x3  }
0x34: {  	[smem:$0x3FBA] =	sst s10  }
0x35: {  	s10 =	sld [smem:$0x3FB9];
	_ =	sdelay $0x3  }
0x36: {  	p1 =	seq.s32 s10, $0x1;
	s10 =	sld [smem:$0x3FBA];
	_ =	sdelay $0x3  }
0x37: {  	[smem:$0x3FBA] =	sst s10  }
0x38: {  	s10 =	sld [smem:$0x3FBB]  }
0x39: {  	_ = 	snop;
	(pc) =	sbr.ind lr, $3  }
0x3a: {  	_ = 	snop  }
0x3b: {  	_ = 	snop  }
0x3c: {  	p2 =	seq.s32 s10, $0x1;
	s10 =	sld [smem:$0x3FBA]  }
0x3d: {  	_ =	shalt  }
0x3e: {  	_ =	shalt  }
0x3f: {  	_ =	shalt  }
0x40: {  	_ =	shalt  }
0x41: {  	_ =	shalt  }
0x42: {  	_ =	shalt  }
0x43: {  	_ =	shalt  }
0x44: {  	_ =	shalt  }
0x45: {  	_ =	shalt  }
0x46: {  	_ =	shalt  }
0x47: {  	_ =	shalt  }
0x48: {  	_ =	shalt  }
0x49: {  	_ =	shalt  }
0x4a: {  	_ =	shalt  }
0x4b: {  	_ =	shalt  }
0x4c: {  	_ =	shalt  }
0x4d: {  	_ =	shalt  }
0x4e: {  	_ =	shalt  }
0x4f: {  	_ =	shalt  }
0x50: {  	_ =	shalt  }
0x51: {  	_ =	shalt  }
0x52: {  	_ =	shalt  }
0x53: {  	_ =	shalt  }
0x54: {  	_ =	shalt  }
0x55: {  	_ =	shalt  }
0x56: {  	_ =	shalt  }
0x57: {  	_ =	shalt  }
0x58: {  	_ =	shalt  }
0x59: {  	_ =	shalt  }
0x5a: {  	_ =	shalt  }
0x5b: {  	_ =	shalt  }
0x5c: {  	_ =	shalt  }
0x5d: {  	_ =	shalt  }
0x5e: {  	_ =	shalt  }
0x5f: {  	_ =	shalt  }
0x60: {  	_ =	shalt  }
0x61: {  	_ =	shalt  }
0x62: {  	_ =	shalt  }
0x63: {  	_ =	shalt  }
0x64: {  	_ =	shalt  }
0x65: {  	_ =	shalt  }
0x66: {  	_ =	shalt  }
0x67: {  	_ =	shalt  }
0x68: {  	_ =	shalt  }
0x69: {  	_ =	shalt  }
0x6a: {  	_ =	shalt  }
0x6b: {  	_ =	shalt  }
0x6c: {  	_ =	shalt  }
0x6d: {  	_ =	shalt  }
0x6e: {  	_ =	shalt  }
0x6f: {  	_ =	shalt  }
0x70: {  	_ =	shalt  }
0x71: {  	_ =	shalt  }
0x72: {  	_ =	shalt  }
0x73: {  	_ =	shalt  }
0x74: {  	_ =	shalt  }
0x75: {  	_ =	shalt  }
0x76: {  	_ =	shalt  }
0x77: {  	_ =	shalt  }
0x78: {  	_ =	shalt  }
0x79: {  	_ =	shalt  }
0x7a: {  	_ =	shalt  }
0x7b: {  	_ =	shalt  }
0x7c: {  	_ =	shalt  }
0x7d: {  	_ =	shalt  }
0x7e: {  	_ =	shalt  }
0x7f: {  	_ =	shalt  }
0x80: {  	_ =	shalt  }
0x81: {  	_ =	shalt  }
0x82: {  	_ =	shalt  }
0x83: {  	_ =	shalt  }
0x84: {  	_ =	shalt  }
0x85: {  	_ =	shalt  }
0x86: {  	_ =	shalt  }
0x87: {  	_ =	shalt  }
.Lfunc_end0:
.L_simem_size_0:
called_computation_lowered:
.L_overlay_start_0:
0x88: {  	s2 =	sld [smem:$0x3FD9]  }
0x89: {  	s3 =	sld [smem:$0x3FFE];
	_ =	sdelay $0x1  }
0x8a: {  	s1 =	srdreg.scid  }
0x8b: {  	s0 =	sand.u32 $0x1, s1  }
0x8c: {  	s17 =	sshll.u32 s0, $0xA;
	s2 =	sadd.s32 s3, s2  }
0x8d: {  	s2 =	sadd.s32 s2, s17  }
0x8e: {  	[smem:$0x3FC6] =	sst s2  }
0x8f: {  	_ = 	snop  }
0x90: {  	s2 =	sld [smem:$0x3FC9]  }
0x91: {  	s18 =	sld [smem:$0x3FC8];
	(tm) =	ssettm $0x1  }
0x92: {  	s4 =	sld [smem:$0x3FFB];
	_ =	sdelay $0x3  }
0x93: {  	_ =	strace s4  }
0x94: {  	s4 =	sld [smem:$0x3FFC];
	_ =	sdelay $0x3  }
0x95: {  	_ =	strace s4  }
0x96: {  	s4 =	sld [smem:$0x3FFD];
	_ =	sdelay $0x3  }
0x97: {  	_ =	strace s4  }
0x98: {  	_ =	strace $0x8FFFFFFF  }
0x99: {  	s19 =	sld [smem:$0x3FDB];
	_ =	sdelay $0x1  }
0x9a: {  	s5 =	simm.s32 $_scs_section_size  }
0x9b: {  	s6 =	simm.s32 $_size__tile_overlayer_lowered;
	s7 =	simm.s32 $_tile_overlayer_lowered  }
0x9c: {  	s22 =	simm.s32 $0x1BFF;
	s21 =	sshll.u32 s7, $0x1;
	s4 =	sadd.s32 s5, s19  }
0x9d: {  	s8 =	simm.s32 $0x0;
	s20 =	sshll.u32 s6, $0x1;
	s6 =	sadd.s32 s21, s4  }
0x9e: {  	[timem:s8], [sflag:s22] =	dma.local [hbm:s6], s20  }
0x9f: {  	_ =	swait.ge [sflag:s22], s20  }
0xa0: {  	s5 =	ssub.s32 $0x0, s20;
	[sflag:s22] =	ssyncset.done $0x0  }
0xa1: {  	[sflag:s22] =	ssyncadd.s32 s5;
	_ =	sdelay $0x1  }
0xa2: {  	s23 =	simm.s32 $0x1B8B  }
0xa3: {  	_ =	swait.ge [sflag:s23], $0x1  }
0xa4: {  	[sflag:s23] =	ssyncset.done $0x0  }
0xa5: {  	s25 =	simm.s32 $0x1B8E;
	s24 =	sld [smem:$0x3FFE];
	[sflag:s23] =	ssyncadd.s32 $0xFFFFFFFF  }
0xa6: {  	s26 =	simm.s32 $execute0_lowered;
	[smem:$0x3FD2] =	sst s25  }
0xa7: {  	s6 =	sshll.u32 s26, $0x1;
	_ =	strace $0x80000046;
	[dreg:$0x1] =	wrdreg $0xFFFFFFFF  }
0xa8: {  	s28 =	simm.s32 $_size_execute0_lowered;
	s4 =	sadd.s32 s4, s6;
	[dreg:$0x0] =	wrdreg $0x0  }
0xa9: {  	s6 =	sshll.u32 s28, $0x1;
	[dreg:$0x2] =	wrdreg s4  }
0xaa: {  	[dreg:$0x3] =	wrdreg s6  }
0xab: {  	[dreg:$0x4] =	wrdreg $0xC0  }
0xac: {  	_ =	task [dreg:s8], $0x5FFFF  }
0xad: {  	[dreg:$0x1] =	wrdreg $0xFFFFFFFF  }
0xae: {  	[dreg:$0x0] =	wrdreg $0x60  }
0xaf: {  	[dreg:$0x2] =	wrdreg s2  }
0xb0: {  	[dreg:$0x3] =	wrdreg s18  }
0xb1: {  	[dreg:$0x4] =	wrdreg s24  }
0xb2: {  	[dreg:$0x5] =	wrdreg $0x9  }
0xb3: {  	_ =	task.clear_ibuf [dreg:s8], $0x6FFFF;
	_ =	strace $0x90000046  }
0xb4: {  	s29 =	simm.s32 $0x9;
	_ =	strace $0x80000048  }
0xb5: {  	_ =	swait.ge [sflag:s29], $0x1  }
0xb6: {  	[sflag:s29] =	ssyncadd.s32 $0xFFFFFFFF  }
0xb7: {  	_ =	strace $0x90000048  }
0xb8: {  	_ =	sfence  }
0xb9: {  	s30 =	sld [smem:$0x0];
	_ =	sdelay $0x2  }
0xba: {  	s31 =	sshll.u32 s1, $0xD;
	s1 =	sshrl.u32 s1, $0x2  }
0xbb: {  	s3 =	sand.u32 $0x4000, s31;
	s1 =	sadd.s32 s1, s30  }
0xbc: {  	s0 =	sor.u32 s3, s0;
	s1 =	sshll.u32 s1, $0x11  }
0xbd: {  	s0 =	sor.u32 s1, s0  }
0xbe: {  	s0 =	sadd.s32 $0x8F2B, s0  }
0xbf: {  	[sflag:s0] =	ssyncadd.remote.s32 $0x1  }
0xc0: {  	_ =	sfence.sel $0xFFFF  }
0xc1: {  	[dreg:$0x0] =	wrdreg $0xFFFFFFFF;
	(pc) =	sbr.abs _section_cstart, $3  }
0xc2: {  	[dreg:$0x1] =	wrdreg $0xFFFFFFFF  }
0xc3: {  	_ =	task.clear_ibuf [dreg:s8], $0x2FFFF;
	_ =	strace $0x9FFFFFFF  }
0xc4: {  	(tm) =	ssettm $0x7FFFFFFF  }
0xc5: {  	_ =	shalt  }
tec
execute0_lowered:
.L_overlay_start_1:
0x0: {  	(tag) =	ssettag $0x1  }
0x1: {  	s5 =	rddreg [dreg:$0x0]  }
0x2: {  	s7 =	rddreg [dreg:$0x1]  }
0x3: {  	s0 =	srdreg.scid;
	s4 =	rddreg [dreg:$0x2]  }
0x4: {  	s1 =	stileid.u32;
	s2 =	simm.s32 $0x0;
	s3 =	sand.u32 $0x1, s0  }
0x5: {  	s13 =	simm.s32 $0x0;
	s0 =	rddreg [dreg:$0x3];
	s6 =	sshll.u32 s3, $0x4  }
0x6: {  	[smem:$0x7FF] =	sst s2;
	s3 =	ssub.s32 $0x2, s3;
	s10 =	sor.u32 s1, s6  }
0x7: {  	_ =	strace $0x80000047;
	s8 =	sshrl.u32 s3, $0x1;
	s6 =	smul.u32 $0x500, s10  }
0x8: {  	s9 =	smul.u32 $0x4C0, s10;
	s12 =	ssub.s32 s3, s8;
	s30 =	sshll.u32 s10, $0x6  }
0x9: {  	p0 =	slt.u32 s10, $0x11;
	s31 =	sor.u32 $0x9800, s30;
	s11 =	sadd.s32 s6, s4  }
0xa: {  	s3 =	sadd.s32 s5, s9;
	s4 =	sadd.s32 s7, s9;
	s5 =	sadd.s32 s5, s31  }
0xb: {  	s6 =	simm.s32 $0xA00;
	s7 =	sadd.s32 s7, s31;
	s9 =	smax.u32 s12, $0x1  }
0xc: {  	s12 =	simm.s32 $0x2;
	s6 =	simm.s32 @!p0 $0x980;
	s8 =	sadd.s32 $0x600, s11  }
0xd: {  	v0 =	vimm.f32 $0.0e+00;
	v1 =	vimm.f32 $1.000000000e+00;
	p0 =	sgt.u32 s10, $0x10;
	s10 =	simm.s32 $0x1;
	s11 =	simm.s32 $0x5000  }
.LBB2_1:
0xe: {  	s14 =	simm.s32 $0x40  }
0xf: {  	s17 =	sadd.s32 $0x0, s3;
	s15 =	simm.s32 $0x400;
	s16 =	simm.s32 $0x0  }
.LBB2_2:
0x10: {  	[tilespmem:s16], [sflag:$0x1] =	stream.linear.gather [hbm4b:s17+s2], $0x200, $0x38;
	[tilespmem:$0x7800] =	vst v63  }
0x11: {  	s17 =	smov.u32 s14;
	s16 =	smov.u32 s15;
	p1 =	sne.s32 s14, $0x480  }
.Ltmp0:
0x12: {  	s14 =	sadd.s32 $0x40, s14;
	(pc) =	sbr.rel @p1 .LBB2_2-.Ltmp0, $2  }
0x13: {  	_ =	sdelay $0x2  }
0x14: {  	s15 =	sadd.s32 $0x400, s15;
	s17 =	sadd.s32 s17, s3  }
0x15: {  	[tilespmem:s16], [sflag:$0x1] =	stream.linear.gather [hbm4b:s17+s2], $0x200, $0x38;
	[tilespmem:$0x7800] =	vst v63  }
0x16: {  	s14 =	simm.s32 $0x200  }
0x17: {  	s15 =	simm.s32 $0x40;
	s17 =	sadd.s32 $0x0, s4;
	s16 =	simm.s32 $0x600  }
.LBB2_4:
0x18: {  	[tilespmem:s14], [sflag:$0x1] =	stream.linear.gather [hbm4b:s17+s2], $0x200, $0x38;
	[tilespmem:$0x7800] =	vst v63  }
0x19: {  	s17 =	smov.u32 s15;
	s14 =	smov.u32 s16;
	p1 =	sne.s32 s15, $0x480  }
.Ltmp1:
0x1a: {  	s15 =	sadd.s32 $0x40, s15;
	(pc) =	sbr.rel @p1 .LBB2_4-.Ltmp1, $2  }
0x1b: {  	_ =	sdelay $0x2  }
0x1c: {  	s16 =	sadd.s32 $0x400, s16;
	s17 =	sadd.s32 s17, s4  }
0x1d: {  	[tilespmem:s14], [sflag:$0x1] =	stream.linear.gather [hbm4b:s17+s2], $0x200, $0x38;
	[tilespmem:$0x7800] =	vst v63  }
0x1e: {  	s14 =	simm.s32 @!p0 $0x0;
	s15 =	simm.s32 @!p0 $0x4C00  }
0x1f: {  	[tilespmem:s15], [sflag:$0x1] =	stream.linear.gather @!p0 [hbm4b:s5+s14], $0x200, $0x38;
	[tilespmem:$0x7800] =	vst v63  }
0x20: {  	s15 =	simm.s32 @!p0 $0x1  }
0x21: {  	_ =	swait.ge @!p0 [sflag:s15], $0x200  }
0x22: {  	[sflag:s15] =	ssyncset.done @!p0 $0x0  }
0x23: {  	s16 =	simm.s32 @!p0 $0x4E00;
	[sflag:s15] =	ssyncadd.s32 @!p0 $0xFFFFFE00  }
0x24: {  	[tilespmem:s16], [sflag:$0x1] =	stream.linear.gather @!p0 [hbm4b:s7+s14], $0x200, $0x38;
	[tilespmem:$0x7800] =	vst v63  }
0x25: {  	_ =	swait.ge @!p0 [sflag:s15], $0x200  }
0x26: {  	s14 =	simm.s32 $0x0;
	[sflag:s15] =	ssyncset.done @!p0 $0x0  }
0x27: {  	s16 =	simm.s32 $0x0;
	[sflag:s15] =	ssyncadd.s32 @!p0 $0xFFFFFE00;
	s15 =	sand.u32 $0x3FC0, s14  }
.LBB2_6:
0x28: {  	s16 =	sadd.s32 $0x4, s16  }
0x29: {  	[tilespmem:s15+$0x5030] =	vst v0;
	s14 =	sadd.s32 $0x40, s14;
	p1 =	slt.u32 s16, $0x27C  }
.Ltmp2:
0x2a: {  	[tilespmem:s15+$0x5020] =	vst v0;
	(pc) =	sbr.rel @p1 .LBB2_6-.Ltmp2, $3  }
0x2b: {  	[tilespmem:s15+$0x5000] =	vst v0  }
0x2c: {  	[tilespmem:s15+$0x5010] =	vst v0;
	_ =	sdelay $0x1  }
0x2d: {  	s15 =	sand.u32 $0x3FC0, s14  }
0x2e: {  	[tilespmem:s15+$0x5030] =	vst v0  }
0x2f: {  	[tilespmem:s15+$0x5020] =	vst v0  }
0x30: {  	[tilespmem:s15+$0x5000] =	vst v0  }
0x31: {  	[tilespmem:s15+$0x5010] =	vst v0  }
0x32: {  	_ =	swait.ge [sflag:s10], $0x2600  }
0x33: {  	[sflag:s10] =	ssyncset.done $0x0  }
0x34: {  	[sflag:s10] =	ssyncadd.s32 $0xFFFFDA00  }
0x35: {  	s14 =	simm.s32 $0x0;
	_ =	swait.ge [sflag:s10], $0x2600  }
0x36: {  	s31 =	sand.u32 $0x60, s14;
	s16 =	sand.u32 $0xFFFFFC00, s14;
	[sflag:s10] =	ssyncset.done $0x0  }
0x37: {  	s19 =	sor.u32 s31, s16;
	[sflag:s10] =	ssyncadd.s32 $0xFFFFDA00  }
0x38: {  	v2 =	vld [tilespmem:s19+$0x10]  }
0x39: {  	v3 =	vld [tilespmem:s19+$0x0];
	_ =	sdelay $0x6  }
0x3a: {  	[tilespmem:v2+s11+$0x0] =	vst.idx.add.f32.msk $0xffff, v1  }
0x3b: {  	[tilespmem:v3+s11+$0x0] =	vst.idx.add.f32.msk $0xffff, v1  }
0x3c: {  	v2 =	vld [tilespmem:s19+$0x90]  }
0x3d: {  	v3 =	vld [tilespmem:s19+$0x80];
	_ =	sdelay $0x6  }
0x3e: {  	[tilespmem:v2+s11+$0x0] =	vst.idx.add.f32.msk $0xffff, v1  }
0x3f: {  	[tilespmem:v3+s11+$0x0] =	vst.idx.add.f32.msk $0xffff, v1  }
0x40: {  	v2 =	vld [tilespmem:s19+$0x110]  }
0x41: {  	v3 =	vld [tilespmem:s19+$0x100];
	_ =	sdelay $0x3  }
0x42: {  	p2 =	sgt.u32 s6, $0x20  }
.Ltmp3:
0x43: {  	_ = 	snop;
	(pc) =	sbr.rel @!p2 .LBB2_8-.Ltmp3, $4  }
0x44: {  	_ = 	snop  }
0x45: {  	[tilespmem:v2+s11+$0x0] =	vst.idx.add.f32.msk $0xffff, v1  }
0x46: {  	[tilespmem:v3+s11+$0x0] =	vst.idx.add.f32.msk $0xffff, v1  }
0x47: {  	p1 =	por $0x0, $0x0;
	s16 =	simm.s32 $0x20;
	v4 =	vld [tilespmem:s19+$0x190]  }
0x48: {  	_ =	sdelay $0x1  }
0x49: {  	s15 =	simm.s32 $0x100  }
0x4a: {  	s16 =	sand.u32 $0x60, s16;
	v2 =	vld [tilespmem:s19+$0x180];
	s17 =	sand.u32 $0xFFFFFC00, s15  }
0x4b: {  	s16 =	sor.u32 s16, s17  }
0x4c: {  	v3 =	vld [tilespmem:s16+$0x10];
	_ =	sdelay $0x1  }
0x4d: {  	v5 =	vld [tilespmem:s16+$0x0]  }
0x4e: {  	[tilespmem:v4+s11+$0x0] =	vst.idx.add.f32.msk $0xffff, v1  }
0x4f: {  	v4 =	vld [tilespmem:s19+$0x210];
	_ =	sdelay $0x1  }
0x50: {  	[tilespmem:v2+s11+$0x0] =	vst.idx.add.f32.msk $0xffff, v1  }
0x51: {  	v2 =	vld [tilespmem:s19+$0x200]  }
0x52: {  	[tilespmem:v3+s11+$0x0] =	vst.idx.add.f32.msk $0xffff, v1  }
0x53: {  	v3 =	vld [tilespmem:s16+$0x90]  }
0x54: {  	[tilespmem:v5+s11+$0x0] =	vst.idx.add.f32.msk $0xffff, v1  }
0x55: {  	v5 =	vld [tilespmem:s16+$0x80]  }
0x56: {  	[tilespmem:v4+s11+$0x0] =	vst.idx.add.f32.msk $0xffff, v1  }
0x57: {  	v4 =	vld [tilespmem:s19+$0x290];
	_ =	sdelay $0x1  }
0x58: {  	[tilespmem:v2+s11+$0x0] =	vst.idx.add.f32.msk $0xffff, v1  }
0x59: {  	v2 =	vld [tilespmem:s19+$0x280]  }
0x5a: {  	s30 =	sand.u32 $0x3, s14;
	[tilespmem:v3+s11+$0x0] =	vst.idx.add.f32.msk $0xffff, v1  }
0x5b: {  	s17 =	sshll.u32 s30, $0x5;
	v6 =	vld [tilespmem:s16+$0x110]  }
0x5c: {  	s17 =	sadd.s32 $0x0, s17;
	[tilespmem:v5+s11+$0x0] =	vst.idx.add.f32.msk $0xffff, v1  }
0x5d: {  	s21 =	sadd.s32 $0x10, s17;
	v5 =	vld [tilespmem:s16+$0x100]  }
0x5e: {  	s18 =	sor.u32 $0x300, s21;
	[tilespmem:v4+s11+$0x0] =	vst.idx.add.f32.msk $0xffff, v1  }
0x5f: {  	v3 =	vld [tilespmem:s18+$0x0]  }
0x60: {  	p2 =	sgt.u32 s6, $0x40  }
.Ltmp4:
0x61: {  	s31 =	sor.u32 $0x300, s17;
	[tilespmem:v2+s11+$0x0] =	vst.idx.add.f32.msk $0xffff, v1;
	(pc) =	sbr.rel @!p2 .LBB2_10-.Ltmp4, $4  }
0x62: {  	v2 =	vld [tilespmem:s31+$0x0]  }
0x63: {  	[tilespmem:v6+s11+$0x0] =	vst.idx.add.f32.msk $0xffff, v1  }
0x64: {  	p1 =	por $0x1, $0x1;
	s20 =	simm.s32 $0x100;
	v4 =	vld [tilespmem:s16+$0x190]  }
0x65: {  	s17 =	sor.u32 $0x380, s17;
	s19 =	simm.s32 $0x40;
	s18 =	simm.s32 $0x0;
	[tilespmem:v5+s11+$0x0] =	vst.idx.add.f32.msk $0xffff, v1  }
.LBB2_11:
0x66: {  	s22 =	sand.u32 $0x60, s19;
	v5 =	vld [tilespmem:s16+$0x180];
	s20 =	sadd.s32 $0x100, s20  }
0x67: {  	s19 =	sadd.s32 $0x20, s19;
	s21 =	sor.u32 $0x380, s21;
	s23 =	sand.u32 $0xFFFFFC00, s20;
	[tilespmem:v3+s11+$0x0] =	vst.idx.add.f32.msk $0xffff, v1  }
0x68: {  	p2 =	slt.u32 s19, s6;
	s22 =	sor.u32 s22, s23;
	v3 =	vld [tilespmem:s21+$0x0]  }
0x69: {  	v6 =	vld [tilespmem:s22+$0x10]  }
0x6a: {  	v7 =	vld [tilespmem:s22+$0x0]  }
0x6b: {  	[tilespmem:v2+s11+$0x0] =	vst.idx.add.f32.msk $0xffff, v1  }
0x6c: {  	[tilespmem:v4+s11+$0x0] =	vst.idx.add.f32.msk $0xffff, v1  }
0x6d: {  	v2 =	vld [tilespmem:s16+$0x210]  }
0x6e: {  	[tilespmem:v5+s11+$0x0] =	vst.idx.add.f32.msk $0xffff, v1  }
0x6f: {  	v4 =	vld [tilespmem:s16+$0x200]  }
0x70: {  	[tilespmem:v3+s11+$0x0] =	vst.idx.add.f32.msk $0xffff, v1  }
0x71: {  	[tilespmem:v6+s11+$0x0] =	vst.idx.add.f32.msk $0xffff, v1  }
0x72: {  	v3 =	vld [tilespmem:s22+$0x90]  }
0x73: {  	[tilespmem:v7+s11+$0x0] =	vst.idx.add.f32.msk $0xffff, v1  }
0x74: {  	v5 =	vld [tilespmem:s22+$0x80]  }
0x75: {  	[tilespmem:v2+s11+$0x0] =	vst.idx.add.f32.msk $0xffff, v1  }
0x76: {  	v2 =	vld [tilespmem:s16+$0x290]  }
0x77: {  	[tilespmem:v4+s11+$0x0] =	vst.idx.add.f32.msk $0xffff, v1  }
0x78: {  	v4 =	vld [tilespmem:s16+$0x280];
	s16 =	smov.u32 s22  }
0x79: {  	s18 =	sadd.s32 $0x1, s18;
	v6 =	vld [tilespmem:s17+$0x0]  }
0x7a: {  	s17 =	sand.u32 $0x3, s18;
	[tilespmem:v3+s11+$0x0] =	vst.idx.add.f32.msk $0xffff, v1  }
0x7b: {  	s17 =	sshll.u32 s17, $0x5;
	v7 =	vld [tilespmem:s16+$0x110]  }
0x7c: {  	s21 =	sadd.s32 s17, s15;
	s15 =	smov.u32 s20;
	[tilespmem:v5+s11+$0x0] =	vst.idx.add.f32.msk $0xffff, v1  }
0x7d: {  	s22 =	sor.u32 $0x300, s21;
	s17 =	sor.u32 $0x380, s21;
	s21 =	sadd.s32 $0x10, s21;
	v5 =	vld [tilespmem:s16+$0x100]  }
0x7e: {  	s23 =	sor.u32 $0x300, s21;
	[tilespmem:v2+s11+$0x0] =	vst.idx.add.f32.msk $0xffff, v1  }
0x7f: {  	v3 =	vld [tilespmem:s23+$0x0]  }
0x80: {  	[tilespmem:v4+s11+$0x0] =	vst.idx.add.f32.msk $0xffff, v1  }
.Ltmp5:
0x81: {  	v2 =	vld [tilespmem:s22+$0x0];
	(pc) =	sbr.rel @p2 .LBB2_11-.Ltmp5, $4  }
0x82: {  	[tilespmem:v6+s11+$0x0] =	vst.idx.add.f32.msk $0xffff, v1  }
0x83: {  	[tilespmem:v7+s11+$0x0] =	vst.idx.add.f32.msk $0xffff, v1  }
0x84: {  	v4 =	vld [tilespmem:s16+$0x190]  }
0x85: {  	[tilespmem:v5+s11+$0x0] =	vst.idx.add.f32.msk $0xffff, v1  }
0x86: {  	s19 =	smov.u32 s16  }
.LBB2_13:
0x87: {  	v5 =	vld [tilespmem:s19+$0x180];
	_ =	sdelay $0x5  }
0x88: {  	[tilespmem:v4+s11+$0x0] =	vst.idx.add.f32.msk $0xffff, v1  }
0x89: {  	v4 =	vld [tilespmem:s19+$0x210]  }
0x8a: {  	[tilespmem:v5+s11+$0x0] =	vst.idx.add.f32.msk $0xffff, v1  }
0x8b: {  	v5 =	vld [tilespmem:s19+$0x200];
	_ =	sdelay $0x5  }
0x8c: {  	[tilespmem:v4+s11+$0x0] =	vst.idx.add.f32.msk $0xffff, v1  }
0x8d: {  	v4 =	vld [tilespmem:s19+$0x290]  }
0x8e: {  	[tilespmem:v5+s11+$0x0] =	vst.idx.add.f32.msk $0xffff, v1  }
0x8f: {  	s16 =	sadd.s32 @p1 $0x1, s18;
	v5 =	vld [tilespmem:s19+$0x280]  }
0x90: {  	s14 =	smov.u32 @p1 s16  }
0x91: {  	s14 =	sand.u32 $0x3, s14  }
0x92: {  	s14 =	sshll.u32 s14, $0x5  }
0x93: {  	s14 =	sadd.s32 s14, s15  }
0x94: {  	s15 =	sadd.s32 $0x10, s14  }
0x95: {  	s30 =	sor.u32 $0x300, s15;
	[tilespmem:v4+s11+$0x0] =	vst.idx.add.f32.msk $0xffff, v1  }
0x96: {  	v4 =	vld [tilespmem:s30+$0x0]  }
0x97: {  	s31 =	sor.u32 $0x300, s14;
	[tilespmem:v5+s11+$0x0] =	vst.idx.add.f32.msk $0xffff, v1  }
0x98: {  	v5 =	vld [tilespmem:s31+$0x0];
	_ =	sdelay $0x1  }
0x99: {  	[tilespmem:v3+s11+$0x0] =	vst.idx.add.f32.msk @p1 $0xffff, v1  }
0x9a: {  	[tilespmem:v2+s11+$0x0] =	vst.idx.add.f32.msk @p1 $0xffff, v1  }
0x9b: {  	s16 =	sor.u32 @p1 $0x380, s21;
	v2 =	vld @p1 [tilespmem:s17+$0x0]  }
0x9c: {  	v3 =	vld @p1 [tilespmem:s16+$0x0]  }
0x9d: {  	s15 =	sor.u32 $0x380, s15;
	[tilespmem:v4+s11+$0x0] =	vst.idx.add.f32.msk $0xffff, v1  }
0x9e: {  	v4 =	vld [tilespmem:s15+$0x0]  }
0x9f: {  	s14 =	sor.u32 $0x380, s14;
	[tilespmem:v5+s11+$0x0] =	vst.idx.add.f32.msk $0xffff, v1  }
0xa0: {  	v5 =	vld [tilespmem:s14+$0x0];
	_ =	sdelay $0x4  }
0xa1: {  	[tilespmem:v2+s11+$0x0] =	vst.idx.add.f32.msk @p1 $0xffff, v1  }
0xa2: {  	[tilespmem:v3+s11+$0x0] =	vst.idx.add.f32.msk @p1 $0xffff, v1  }
0xa3: {  	s13 =	sadd.s32 $0x1, s13;
	[tilespmem:v4+s11+$0x0] =	vst.idx.add.f32.msk $0xffff, v1  }
0xa4: {  	p1 =	seq.s32 s13, s9;
	[tilespmem:v5+s11+$0x0] =	vst.idx.add.f32.msk $0xffff, v1  }
0xa5: {  	[hbm4b:s8+s2] =	stream.linear.scatter [tilespmem:s11], [sflag:$0x2], $0x2800, $0x38;
	[tilespmem:$0x7800] =	vst v63  }
.Ltmp6:
0xa6: {  	_ = 	snop;
	(pc) =	sbr.rel @!p1 .LBB2_1-.Ltmp6, $4  }
.Ltmp7:
0xa7: {  	_ = 	snop;
	(pc) =	sbr.rel @p1 .LBB2_14-.Ltmp7, $4  }
0xa8: {  	_ =	swait.ge [sflag:s12], $0x2800  }
0xa9: {  	[sflag:s12] =	ssyncset.done $0x0  }
0xaa: {  	[sflag:s12] =	ssyncadd.s32 $0xFFFFD800  }
0xab: {  	_ = 	snop  }
.LBB2_8:
.Ltmp8:
0xac: {  	(pc) =	sbr.rel .LBB2_13-.Ltmp8, $2  }
0xad: {  	_ =	sdelay $0x2  }
0xae: {  	s18 =	simm.s32 $0x0;
	s15 =	simm.s32 $0x0  }
.LBB2_10:
.Ltmp9:
0xaf: {  	(pc) =	sbr.rel .LBB2_13-.Ltmp9, $2  }
0xb0: {  	_ =	sdelay $0x2  }
0xb1: {  	s19 =	smov.u32 s16;
	s18 =	simm.s32 $0x0  }
.LBB2_14:
0xb2: {  	_ =	sfence.sel $0x180000  }
0xb3: {  	[bflag:$0x0] =	sbarrier.arrive $0xFFFF  }
0xb4: {  	p0 =	sne.s32 s1, $0x0;
	_ =	strace $0x90000047  }
0xb5: {  	s0 =	sadd.s32 @!p0 $0x100000, s0;
	[bflag:$0x2] =	sbarrier.arrive $0xFFFF  }
0xb6: {  	[sflag:s0] =	ssyncadd.tile.s32 @!p0 $0x1;
	_ =	shalt  }
.Lfunc_end2:
_tile_overlayer_lowered:
.L_overlay_start_2:
0xb7: {  	(tag) =	ssettag $0x2  }
0xb8: {  	s0 =	rddreg [dreg:$0x0];
	s2 =	stileid.u32  }
0xb9: {  	s1 =	rddreg [dreg:$0x1];
	p0 =	sne.s32 s2, $0x0  }
0xba: {  	s3 =	rddreg [dreg:$0x2];
	[bflag:$0x3] =	sbarrier.arrive $0xFFFF;
	s2 =	simm.s32 @!p0 $0x1C02  }
0xbb: {  	[timem:s3], [sflag:s2] =	dma.local @!p0 [hbm:s0], s1  }
0xbc: {  	s0 =	simm.s32 @!p0 $0x2  }
0xbd: {  	_ =	swait.ge @!p0 [sflag:s0], s1  }
0xbe: {  	s1 =	ssub.s32 @!p0 $0x0, s1;
	[sflag:s0] =	ssyncset.done @!p0 $0x0  }
0xbf: {  	[sflag:s0] =	ssyncadd.s32 @!p0 s1  }
0xc0: {  	[bflag:$0x3] =	sbarrier.arrive $0xFFFF  }
0xc1: {  	_ =	shalt  }

</sc_bundles>
